<compile_context>
chip_gen: v7x
topology: tpu7x:2x2x1
jax: 0.10.2.dev20260603
libtpu: 0.0.44.dev20260713+nightly
codegen_flags: <defaults>
</compile_context>

<pallas_src>
import jax
import jax.numpy as jnp
from jax.experimental import pallas as pl
from jax.experimental.pallas import tpu as pltpu

_S = 12
_P = 12
_D3 = 48
_BM = 3456
_HALO = 8


def _block_kernel(M, x_ref, fh_ref, bh_ref, x01_ref, wq_ref, wk_ref, wv_ref,
                  bq_ref, bk_ref, bv_ref, wd_ref, bd_ref, wu_ref, bu_ref,
                  o_ref):
    i = pl.program_id(1)
    BME = _BM + 2 * _HALO

    def dot(a, b):
        return jax.lax.dot_general(a, b, (((1,), (0,)), ((), ())),
                                   preferred_element_type=jnp.float32)

    xc = x_ref[0]
    fh = fh_ref[0, 0]
    bh = bh_ref[0, 0]
    x8 = x01_ref[0]

    wq = wq_ref[...]
    wv = wv_ref[...]

    q_ext = jnp.concatenate([dot(fh, wq), dot(xc, wq), dot(bh, wq)],
                            axis=0) + bq_ref[...]
    v_ext = jnp.concatenate([dot(fh, wv), dot(xc, wv), dot(bh, wv)],
                            axis=0) + bv_ref[...]

    rows = jax.lax.broadcasted_iota(jnp.int32, (BME, _D3), 0)
    gi = i * _BM - _HALO + rows
    valid = (gi >= 0) & (gi < M)
    v_m = jnp.where(valid, v_ext, 0.0)

    k8 = dot(x8, wk_ref[...]) + bk_ref[...]
    v8 = dot(x8, wv) + bv_ref[...]
    kd = k8[0:1, :] - k8[1:2, :]
    kd2 = jnp.concatenate([kd, -kd], axis=0)
    s2 = jax.lax.dot_general(q_ext, kd2, (((1,), (1,)), ((), ())),
                             preferred_element_type=jnp.float32)
    p2 = jax.nn.sigmoid(s2)
    att = dot(p2, v8[0:2, :])

    vb = v_m
    yd0 = dot(vb, wd_ref[0])
    yd1 = dot(vb, wd_ref[1])
    yd2 = dot(vb, wd_ref[2])
    mid_c = att + bd_ref[...] + yd1
    midv = mid_c[1:BME - 1] + yd0[0:BME - 2] + yd2[2:BME]
    midv = jnp.where(valid[1:BME - 1], midv, 0.0)

    yu0 = dot(midv, wu_ref[0])
    yu1 = dot(midv, wu_ref[1])
    yu2 = dot(midv, wu_ref[2])
    out = (yu0[_HALO - 2:_HALO - 2 + _BM] + yu1[_HALO - 1:_HALO - 1 + _BM]
           + yu2[_HALO:_HALO + _BM] + bu_ref[...])
    o_ref[0] = out


def kernel(input, W_qkv, b_qkv, W_down, b_down, W_up, b_up):
    B, C, H, W = input.shape
    xu = input.reshape(B, C, _S, _P, _S, _P)
    xu = jnp.transpose(xu, (0, 1, 3, 5, 2, 4)).reshape(B, C * _P * _P, _S * _S)
    x = xu.reshape(B, _S * _S, -1, _P * _P)
    x = jnp.transpose(x, (0, 2, 1, 3)).reshape(B, -1, _S * _S)
    M = x.shape[1]
    nb = M // _BM

    xr = x.reshape(B, nb, _BM, _S * _S)
    z8 = jnp.zeros((B, 1, _HALO, _S * _S), x.dtype)
    fh = jnp.concatenate([z8, xr[:, :-1, _BM - _HALO:, :]], axis=1)
    bh = jnp.concatenate([xr[:, 1:, :_HALO, :], z8], axis=1)
    x01 = x[:, :_HALO, :]

    WT = W_qkv.T
    wq, wk, wv = WT[:, :_D3], WT[:, _D3:2 * _D3], WT[:, 2 * _D3:]
    bq = b_qkv[:_D3].reshape(1, _D3)
    bk = b_qkv[_D3:2 * _D3].reshape(1, _D3)
    bv = b_qkv[2 * _D3:].reshape(1, _D3)
    wd = jnp.transpose(W_down, (2, 1, 0))
    wu = jnp.transpose(W_up, (2, 1, 0))
    bd = b_down.reshape(1, _D3)
    bu = b_up.reshape(1, _D3)

    def full(shp, nd):
        return pl.BlockSpec(shp, (lambda b, i: (0,) * nd))

    out = pl.pallas_call(
        lambda *refs: _block_kernel(M, *refs),
        grid=(B, nb),
        in_specs=[
            pl.BlockSpec((1, _BM, _S * _S), lambda b, i: (b, i, 0)),
            pl.BlockSpec((1, 1, _HALO, _S * _S), lambda b, i: (b, i, 0, 0)),
            pl.BlockSpec((1, 1, _HALO, _S * _S), lambda b, i: (b, i, 0, 0)),
            pl.BlockSpec((1, _HALO, _S * _S), lambda b, i: (b, 0, 0)),
            full((_S * _S, _D3), 2),
            full((_S * _S, _D3), 2),
            full((_S * _S, _D3), 2),
            full((1, _D3), 2),
            full((1, _D3), 2),
            full((1, _D3), 2),
            full((3, _D3, _D3), 3),
            full((1, _D3), 2),
            full((3, _D3, _D3), 3),
            full((1, _D3), 2),
        ],
        out_specs=pl.BlockSpec((1, _BM, _D3), lambda b, i: (b, i, 0)),
        out_shape=jax.ShapeDtypeStruct((B, M, _D3), jnp.float32),
        compiler_params=pltpu.CompilerParams(
            dimension_semantics=("arbitrary", "arbitrary")),
    )(x, fh, bh, x01, wq, wk, wv, bq, bk, bv, wd, bd, wu, bu)

    out = out.reshape(B, -1, _S * _S, _P * _P)
    out = jnp.transpose(out, (0, 2, 1, 3))
    return out.reshape(B, -1, _S * _P, _S * _P)

# --- scband reference (transcript-rebuilt; emitter-appended) ---
"""Pipeline reference for scband-attention-68341519614767 (READ-ONLY COPY).

The authoritative reference and input builder live on the scoring server;
editing this copy changes nothing except your own understanding.
"""

import jax, jax.numpy as jnp
import numpy as np

INPUT_DIM = 144
S = 12          # num_regions
P = INPUT_DIM // S  # patch_size = 12
K_ATT = 2       # num_attended_regions
B = 2
C = 384
H = S * P       # 144
D3 = INPUT_DIM // 3  # 48


def setup_inputs(seed: int = 0) -> dict:
    key = jax.random.key(seed)
    ks = jax.random.split(key, 7)
    return {
        "input": jax.random.normal(ks[0], (B, C, H, H), dtype=jnp.float32),
        "W_qkv": jax.random.normal(ks[1], (INPUT_DIM, INPUT_DIM), dtype=jnp.float32) / np.sqrt(INPUT_DIM),
        "b_qkv": jax.random.normal(ks[2], (INPUT_DIM,), dtype=jnp.float32) * 0.02,
        "W_down": jax.random.normal(ks[3], (D3, D3, 3), dtype=jnp.float32) / np.sqrt(3.0 * D3),
        "b_down": jax.random.normal(ks[4], (D3,), dtype=jnp.float32) * 0.02,
        "W_up": jax.random.normal(ks[5], (D3, D3, 3), dtype=jnp.float32) / np.sqrt(3.0 * D3),
        "b_up": jax.random.normal(ks[6], (D3,), dtype=jnp.float32) * 0.02,
    }


def _conv1d(x, w, b):
    # x: [B, Cin, L], w: [Cout, Cin, 3], padding 1 (analog of the module's 3x3 Conv2d, pad 1)
    y = jax.lax.conv_general_dilated(
        x, w, window_strides=(1,), padding=[(1, 1)],
        dimension_numbers=("NCH", "OIH", "NCH"))
    return y + b[None, :, None]


def _forward(input, W_qkv, b_qkv, W_down, b_down, W_up, b_up):
    Bn, Cc, Hh, Ww = input.shape
    # F.unfold(input, P, stride=P) -> [B, C*P*P, S*S]
    xu = input.reshape(Bn, Cc, S, P, S, P)
    xu = jnp.transpose(xu, (0, 1, 3, 5, 2, 4)).reshape(Bn, Cc * P * P, S * S)
    # x.view(B, S^2, -1, P^2)  (contiguous reinterpretation, faithful to torch view)
    x = xu.reshape(Bn, S * S, -1, P * P)
    x = jnp.transpose(x, (0, 2, 1, 3))  # permute(0,2,1,3)
    x = x.reshape(Bn, -1, S * S)        # [B, C*P*P, S^2]; last dim == input_dim
    qkv = x @ W_qkv.T + b_qkv
    q, k, v = jnp.split(qkv, 3, axis=-1)  # each [B, M, D3]
    qr = q.mean(axis=1)
    kr = k.mean(axis=1)
    A_r = qr @ kr.T                       # [B, B]
    _, I_r = jax.lax.top_k(A_r, K_ATT)    # [B, K_ATT]
    idx = jnp.broadcast_to(I_r[:, :, None], (Bn, K_ATT, q.shape[-1]))
    key_g = jnp.take_along_axis(k, idx, axis=1)    # [B, K_ATT, D3]
    value_g = jnp.take_along_axis(v, idx, axis=1)  # [B, K_ATT, D3]
    A = q @ jnp.swapaxes(key_g, -1, -2)            # [B, M, K_ATT]
    A = jax.nn.softmax(A, axis=-1)
    out = A @ value_g                              # [B, M, D3]
    out = out + jnp.swapaxes(_conv1d(jnp.swapaxes(v, -1, -2), W_down, b_down), -1, -2)
    out = jnp.swapaxes(_conv1d(jnp.swapaxes(out, -1, -2), W_up, b_up), -1, -2)
    out = out.reshape(Bn, -1, S * S, P * P)        # [B, C/3, S^2, P^2]
    out = jnp.transpose(out, (0, 2, 1, 3))
    out = out.reshape(Bn, -1, S * P, S * P)        # [B, C/3, H, W]
    return out


def reference(input, W_qkv, b_qkv, W_down, b_down, W_up, b_up):
    return _forward(input, W_qkv, b_qkv, W_down, b_down, W_up, b_up)

if __name__ == "__main__":
    import jax
    _d = setup_inputs()
    print(jax.jit(kernel)(*tuple(_d.values())))

</pallas_src>

<mosaic_0001>
module attributes {stable_mosaic.version = 14 : i64} {
  func.func @_lambda_(%arg0: i32, %arg1: i32, %arg2: memref<1x3456x144xf32, #tpu.memory_space<vmem>>, %arg3: memref<1x1x8x144xf32, #tpu.memory_space<vmem>>, %arg4: memref<1x1x8x144xf32, #tpu.memory_space<vmem>>, %arg5: memref<1x8x144xf32, #tpu.memory_space<vmem>>, %arg6: memref<144x48xf32, #tpu.memory_space<vmem>>, %arg7: memref<144x48xf32, #tpu.memory_space<vmem>>, %arg8: memref<144x48xf32, #tpu.memory_space<vmem>>, %arg9: memref<1x48xf32, #tpu.memory_space<vmem>>, %arg10: memref<1x48xf32, #tpu.memory_space<vmem>>, %arg11: memref<1x48xf32, #tpu.memory_space<vmem>>, %arg12: memref<3x48x48xf32, #tpu.memory_space<vmem>>, %arg13: memref<1x48xf32, #tpu.memory_space<vmem>>, %arg14: memref<3x48x48xf32, #tpu.memory_space<vmem>>, %arg15: memref<1x48xf32, #tpu.memory_space<vmem>>, %arg16: memref<1x3456x48xf32, #tpu.memory_space<vmem>>) attributes {dimension_semantics = [#tpu.dimension_semantics<arbitrary>, #tpu.dimension_semantics<arbitrary>], iteration_bounds = array<i64: 2, 16>, scalar_prefetch = 0 : i64, scratch_operands = 0 : i64, tpu.core_type = #tpu.core_type<tc>, window_params = [{transform_indices = @transform_0, window_bounds = array<i64: 1, 3456, 144>}, {transform_indices = @transform_1, window_bounds = array<i64: 1, 1, 8, 144>}, {transform_indices = @transform_2, window_bounds = array<i64: 1, 1, 8, 144>}, {transform_indices = @transform_3, window_bounds = array<i64: 1, 8, 144>}, {pipeline_mode = #tpu.pipeline_mode<synchronous>, transform_indices = @transform_4, window_bounds = array<i64: 144, 48>}, {pipeline_mode = #tpu.pipeline_mode<synchronous>, transform_indices = @transform_5, window_bounds = array<i64: 144, 48>}, {pipeline_mode = #tpu.pipeline_mode<synchronous>, transform_indices = @transform_6, window_bounds = array<i64: 144, 48>}, {pipeline_mode = #tpu.pipeline_mode<synchronous>, transform_indices = @transform_7, window_bounds = array<i64: 1, 48>}, {pipeline_mode = #tpu.pipeline_mode<synchronous>, transform_indices = @transform_8, window_bounds = array<i64: 1, 48>}, {pipeline_mode = #tpu.pipeline_mode<synchronous>, transform_indices = @transform_9, window_bounds = array<i64: 1, 48>}, {pipeline_mode = #tpu.pipeline_mode<synchronous>, transform_indices = @transform_10, window_bounds = array<i64: 3, 48, 48>}, {pipeline_mode = #tpu.pipeline_mode<synchronous>, transform_indices = @transform_11, window_bounds = array<i64: 1, 48>}, {pipeline_mode = #tpu.pipeline_mode<synchronous>, transform_indices = @transform_12, window_bounds = array<i64: 3, 48, 48>}, {pipeline_mode = #tpu.pipeline_mode<synchronous>, transform_indices = @transform_13, window_bounds = array<i64: 1, 48>}, {transform_indices = @transform_14, window_bounds = array<i64: 1, 3456, 48>}]} {
    %get3A = arith.constant 0 : index
    %get3A_0 = arith.constant 0 : index
    %get3A_1 = arith.constant 0 : index
    %get3A_2 = vector.load %arg2[%get3A, %get3A_0, %get3A_1] : memref<1x3456x144xf32, #tpu.memory_space<vmem>>, vector<1x3456x144xf32>
    %get3A_3 = vector.shape_cast %get3A_2 : vector<1x3456x144xf32> to vector<3456x144xf32>
    %get3A_4 = arith.constant 0 : index
    %get3A_5 = arith.constant 0 : index
    %get3A_6 = arith.constant 0 : index
    %get3A_7 = arith.constant 0 : index
    %get3A_8 = vector.load %arg3[%get3A_4, %get3A_5, %get3A_6, %get3A_7] : memref<1x1x8x144xf32, #tpu.memory_space<vmem>>, vector<1x1x8x144xf32>
    %get3A_9 = vector.shape_cast %get3A_8 : vector<1x1x8x144xf32> to vector<8x144xf32>
    %get3A_10 = arith.constant 0 : index
    %get3A_11 = arith.constant 0 : index
    %get3A_12 = arith.constant 0 : index
    %get3A_13 = arith.constant 0 : index
    %get3A_14 = vector.load %arg4[%get3A_10, %get3A_11, %get3A_12, %get3A_13] : memref<1x1x8x144xf32, #tpu.memory_space<vmem>>, vector<1x1x8x144xf32>
    %get3A_15 = vector.shape_cast %get3A_14 : vector<1x1x8x144xf32> to vector<8x144xf32>
    %get3A_16 = arith.constant 0 : index
    %get3A_17 = arith.constant 0 : index
    %get3A_18 = arith.constant 0 : index
    %get3A_19 = vector.load %arg5[%get3A_16, %get3A_17, %get3A_18] : memref<1x8x144xf32, #tpu.memory_space<vmem>>, vector<1x8x144xf32>
    %get3A_20 = vector.shape_cast %get3A_19 : vector<1x8x144xf32> to vector<8x144xf32>
    %get3A_21 = arith.constant 0 : index
    %get3A_22 = arith.constant 0 : index
    %get3A_23 = vector.load %arg6[%get3A_21, %get3A_22] : memref<144x48xf32, #tpu.memory_space<vmem>>, vector<144x48xf32>
    %get3A_24 = arith.constant 0 : index
    %get3A_25 = arith.constant 0 : index
    %get3A_26 = vector.load %arg8[%get3A_24, %get3A_25] : memref<144x48xf32, #tpu.memory_space<vmem>>, vector<144x48xf32>
    %dot_general3A = arith.constant dense<0.000000e+00> : vector<8x48xf32>
    %dot_general3A_27 = tpu.matmul %get3A_9, %get3A_23, %dot_general3A {dimension_numbers = #tpu.dot_dimension_numbers<[1], [0], [0], [1], [0, 0, 1, 1], [], []>, transpose_lhs_hint = false} : vector<8x144xf32>, vector<144x48xf32>, vector<8x48xf32> -> vector<8x48xf32>
    %dot_general3A_28 = arith.constant dense<0.000000e+00> : vector<3456x48xf32>
    %dot_general3A_29 = tpu.matmul %get3A_3, %get3A_23, %dot_general3A_28 {dimension_numbers = #tpu.dot_dimension_numbers<[1], [0], [0], [1], [0, 0, 1, 1], [], []>, transpose_lhs_hint = false} : vector<3456x144xf32>, vector<144x48xf32>, vector<3456x48xf32> -> vector<3456x48xf32>
    %dot_general3A_30 = arith.constant dense<0.000000e+00> : vector<8x48xf32>
    %dot_general3A_31 = tpu.matmul %get3A_15, %get3A_23, %dot_general3A_30 {dimension_numbers = #tpu.dot_dimension_numbers<[1], [0], [0], [1], [0, 0, 1, 1], [], []>, transpose_lhs_hint = false} : vector<8x144xf32>, vector<144x48xf32>, vector<8x48xf32> -> vector<8x48xf32>
    %concatenate3A = tpu.concatenate %dot_general3A_27, %dot_general3A_29, %dot_general3A_31 in 0 : vector<8x48xf32>, vector<3456x48xf32>, vector<8x48xf32> -> vector<3472x48xf32>
    %get3A_32 = arith.constant 0 : index
    %get3A_33 = arith.constant 0 : index
    %get3A_34 = vector.load %arg9[%get3A_32, %get3A_33] : memref<1x48xf32, #tpu.memory_space<vmem>>, vector<1x48xf32>
    %add3A = vector.broadcast %get3A_34 : vector<1x48xf32> to vector<3472x48xf32>
    %add3A_35 = arith.addf %concatenate3A, %add3A : vector<3472x48xf32>
    %dot_general3A_36 = arith.constant dense<0.000000e+00> : vector<8x48xf32>
    %dot_general3A_37 = tpu.matmul %get3A_9, %get3A_26, %dot_general3A_36 {dimension_numbers = #tpu.dot_dimension_numbers<[1], [0], [0], [1], [0, 0, 1, 1], [], []>, transpose_lhs_hint = false} : vector<8x144xf32>, vector<144x48xf32>, vector<8x48xf32> -> vector<8x48xf32>
    %dot_general3A_38 = arith.constant dense<0.000000e+00> : vector<3456x48xf32>
    %dot_general3A_39 = tpu.matmul %get3A_3, %get3A_26, %dot_general3A_38 {dimension_numbers = #tpu.dot_dimension_numbers<[1], [0], [0], [1], [0, 0, 1, 1], [], []>, transpose_lhs_hint = false} : vector<3456x144xf32>, vector<144x48xf32>, vector<3456x48xf32> -> vector<3456x48xf32>
    %dot_general3A_40 = arith.constant dense<0.000000e+00> : vector<8x48xf32>
    %dot_general3A_41 = tpu.matmul %get3A_15, %get3A_26, %dot_general3A_40 {dimension_numbers = #tpu.dot_dimension_numbers<[1], [0], [0], [1], [0, 0, 1, 1], [], []>, transpose_lhs_hint = false} : vector<8x144xf32>, vector<144x48xf32>, vector<8x48xf32> -> vector<8x48xf32>
    %concatenate3A_42 = tpu.concatenate %dot_general3A_37, %dot_general3A_39, %dot_general3A_41 in 0 : vector<8x48xf32>, vector<3456x48xf32>, vector<8x48xf32> -> vector<3472x48xf32>
    %get3A_43 = arith.constant 0 : index
    %get3A_44 = arith.constant 0 : index
    %get3A_45 = vector.load %arg11[%get3A_43, %get3A_44] : memref<1x48xf32, #tpu.memory_space<vmem>>, vector<1x48xf32>
    %add3A_46 = vector.broadcast %get3A_45 : vector<1x48xf32> to vector<3472x48xf32>
    %add3A_47 = arith.addf %concatenate3A_42, %add3A_46 : vector<3472x48xf32>
    %iota3A = tpu.iota {dimensions = array<i32: 0>} : vector<3472x48xi32>
    %mul3A = arith.constant 3456 : i32
    %mul3A_48 = arith.muli %arg1, %mul3A : i32
    %sub3A = arith.constant 8 : i32
    %sub3A_49 = arith.subi %mul3A_48, %sub3A : i32
    %add3A_50 = vector.broadcast %sub3A_49 : i32 to vector<3472x48xi32>
    %add3A_51 = arith.addi %add3A_50, %iota3A : vector<3472x48xi32>
    %ge3A = arith.constant 0 : i32
    %ge3A_52 = vector.broadcast %ge3A : i32 to vector<3472x48xi32>
    %ge3A_53 = arith.cmpi sge, %add3A_51, %ge3A_52 : vector<3472x48xi32>
    %lt3A = arith.constant 55296 : i32
    %lt3A_54 = vector.broadcast %lt3A : i32 to vector<3472x48xi32>
    %lt3A_55 = arith.cmpi slt, %add3A_51, %lt3A_54 : vector<3472x48xi32>
    %and3A = arith.andi %ge3A_53, %lt3A_55 : vector<3472x48xi1>
    %jit3A = arith.constant 0.000000e+00 : f32
    %broadcast_in_dim3A = vector.broadcast %jit3A : f32 to vector<3472x48xf32>
    %select_n3A = arith.select %and3A, %add3A_47, %broadcast_in_dim3A : vector<3472x48xi1>, vector<3472x48xf32>
    %get3A_56 = arith.constant 0 : index
    %get3A_57 = arith.constant 0 : index
    %get3A_58 = vector.load %arg7[%get3A_56, %get3A_57] : memref<144x48xf32, #tpu.memory_space<vmem>>, vector<144x48xf32>
    %dot_general3A_59 = arith.constant dense<0.000000e+00> : vector<8x48xf32>
    %dot_general3A_60 = tpu.matmul %get3A_20, %get3A_58, %dot_general3A_59 {dimension_numbers = #tpu.dot_dimension_numbers<[1], [0], [0], [1], [0, 0, 1, 1], [], []>, transpose_lhs_hint = false} : vector<8x144xf32>, vector<144x48xf32>, vector<8x48xf32> -> vector<8x48xf32>
    %get3A_61 = arith.constant 0 : index
    %get3A_62 = arith.constant 0 : index
    %get3A_63 = vector.load %arg10[%get3A_61, %get3A_62] : memref<1x48xf32, #tpu.memory_space<vmem>>, vector<1x48xf32>
    %add3A_64 = vector.broadcast %get3A_63 : vector<1x48xf32> to vector<8x48xf32>
    %add3A_65 = arith.addf %dot_general3A_60, %add3A_64 : vector<8x48xf32>
    %dot_general3A_66 = arith.constant dense<0.000000e+00> : vector<8x48xf32>
    %dot_general3A_67 = tpu.matmul %get3A_20, %get3A_26, %dot_general3A_66 {dimension_numbers = #tpu.dot_dimension_numbers<[1], [0], [0], [1], [0, 0, 1, 1], [], []>, transpose_lhs_hint = false} : vector<8x144xf32>, vector<144x48xf32>, vector<8x48xf32> -> vector<8x48xf32>
    %get3A_68 = arith.constant 0 : index
    %get3A_69 = arith.constant 0 : index
    %get3A_70 = vector.load %arg11[%get3A_68, %get3A_69] : memref<1x48xf32, #tpu.memory_space<vmem>>, vector<1x48xf32>
    %add3A_71 = vector.broadcast %get3A_70 : vector<1x48xf32> to vector<8x48xf32>
    %add3A_72 = arith.addf %dot_general3A_67, %add3A_71 : vector<8x48xf32>
    %slice3A = vector.extract_strided_slice %add3A_65 {offsets = [0, 0], sizes = [1, 48], strides = [1, 1]} : vector<8x48xf32> to vector<1x48xf32>
    %slice3A_73 = vector.extract_strided_slice %add3A_65 {offsets = [1, 0], sizes = [1, 48], strides = [1, 1]} : vector<8x48xf32> to vector<1x48xf32>
    %sub3A_74 = arith.subf %slice3A, %slice3A_73 : vector<1x48xf32>
    %neg3A = arith.constant 0.000000e+00 : f32
    %neg3A_75 = vector.broadcast %neg3A : f32 to vector<1x48xf32>
    %neg3A_76 = arith.subf %neg3A_75, %sub3A_74 : vector<1x48xf32>
    %concatenate3A_77 = tpu.concatenate %sub3A_74, %neg3A_76 in 0 : vector<1x48xf32>, vector<1x48xf32> -> vector<2x48xf32>
    %dot_general3A_78 = arith.constant dense<0.000000e+00> : vector<3472x2xf32>
    %dot_general3A_79 = tpu.matmul %add3A_35, %concatenate3A_77, %dot_general3A_78 {dimension_numbers = #tpu.dot_dimension_numbers<[1], [1], [0], [0], [0, 0, 1, 0], [], []>, transpose_lhs_hint = false} : vector<3472x48xf32>, vector<2x48xf32>, vector<3472x2xf32> -> vector<3472x2xf32>
    %logistic3A = arith.negf %dot_general3A_79 : vector<3472x2xf32>
    %logistic3A_80 = math.exp %logistic3A : vector<3472x2xf32>
    %logistic3A_81 = arith.constant 1.000000e+00 : f32
    %logistic3A_82 = vector.broadcast %logistic3A_81 : f32 to vector<3472x2xf32>
    %logistic3A_83 = arith.addf %logistic3A_82, %logistic3A_80 : vector<3472x2xf32>
    %logistic3A_84 = arith.divf %logistic3A_82, %logistic3A_83 : vector<3472x2xf32>
    %slice3A_85 = vector.extract_strided_slice %add3A_72 {offsets = [0, 0], sizes = [2, 48], strides = [1, 1]} : vector<8x48xf32> to vector<2x48xf32>
    %dot_general3A_86 = arith.constant dense<0.000000e+00> : vector<3472x48xf32>
    %dot_general3A_87 = tpu.matmul %logistic3A_84, %slice3A_85, %dot_general3A_86 {dimension_numbers = #tpu.dot_dimension_numbers<[1], [0], [0], [1], [0, 0, 1, 1], [], []>, transpose_lhs_hint = false} : vector<3472x2xf32>, vector<2x48xf32>, vector<3472x48xf32> -> vector<3472x48xf32>
    %get3A_88 = arith.constant 0 : index
    %get3A_89 = arith.constant 0 : index
    %get3A_90 = arith.constant 0 : index
    %get3A_91 = vector.load %arg12[%get3A_88, %get3A_89, %get3A_90] : memref<3x48x48xf32, #tpu.memory_space<vmem>>, vector<1x48x48xf32>
    %get3A_92 = vector.shape_cast %get3A_91 : vector<1x48x48xf32> to vector<48x48xf32>
    %dot_general3A_93 = arith.constant dense<0.000000e+00> : vector<3472x48xf32>
    %dot_general3A_94 = tpu.matmul %select_n3A, %get3A_92, %dot_general3A_93 {dimension_numbers = #tpu.dot_dimension_numbers<[1], [0], [0], [1], [0, 0, 1, 1], [], []>, transpose_lhs_hint = false} : vector<3472x48xf32>, vector<48x48xf32>, vector<3472x48xf32> -> vector<3472x48xf32>
    %get3A_95 = arith.constant 1 : index
    %get3A_96 = arith.constant 0 : index
    %get3A_97 = arith.constant 0 : index
    %get3A_98 = vector.load %arg12[%get3A_95, %get3A_96, %get3A_97] : memref<3x48x48xf32, #tpu.memory_space<vmem>>, vector<1x48x48xf32>
    %get3A_99 = vector.shape_cast %get3A_98 : vector<1x48x48xf32> to vector<48x48xf32>
    %dot_general3A_100 = arith.constant dense<0.000000e+00> : vector<3472x48xf32>
    %dot_general3A_101 = tpu.matmul %select_n3A, %get3A_99, %dot_general3A_100 {dimension_numbers = #tpu.dot_dimension_numbers<[1], [0], [0], [1], [0, 0, 1, 1], [], []>, transpose_lhs_hint = false} : vector<3472x48xf32>, vector<48x48xf32>, vector<3472x48xf32> -> vector<3472x48xf32>
    %get3A_102 = arith.constant 2 : index
    %get3A_103 = arith.constant 0 : index
    %get3A_104 = arith.constant 0 : index
    %get3A_105 = vector.load %arg12[%get3A_102, %get3A_103, %get3A_104] : memref<3x48x48xf32, #tpu.memory_space<vmem>>, vector<1x48x48xf32>
    %get3A_106 = vector.shape_cast %get3A_105 : vector<1x48x48xf32> to vector<48x48xf32>
    %dot_general3A_107 = arith.constant dense<0.000000e+00> : vector<3472x48xf32>
    %dot_general3A_108 = tpu.matmul %select_n3A, %get3A_106, %dot_general3A_107 {dimension_numbers = #tpu.dot_dimension_numbers<[1], [0], [0], [1], [0, 0, 1, 1], [], []>, transpose_lhs_hint = false} : vector<3472x48xf32>, vector<48x48xf32>, vector<3472x48xf32> -> vector<3472x48xf32>
    %get3A_109 = arith.constant 0 : index
    %get3A_110 = arith.constant 0 : index
    %get3A_111 = vector.load %arg13[%get3A_109, %get3A_110] : memref<1x48xf32, #tpu.memory_space<vmem>>, vector<1x48xf32>
    %add3A_112 = vector.broadcast %get3A_111 : vector<1x48xf32> to vector<3472x48xf32>
    %add3A_113 = arith.addf %dot_general3A_87, %add3A_112 : vector<3472x48xf32>
    %add3A_114 = arith.addf %add3A_113, %dot_general3A_101 : vector<3472x48xf32>
    %slice3A_115 = vector.extract_strided_slice %add3A_114 {offsets = [1, 0], sizes = [3470, 48], strides = [1, 1]} : vector<3472x48xf32> to vector<3470x48xf32>
    %slice3A_116 = vector.extract_strided_slice %dot_general3A_94 {offsets = [0, 0], sizes = [3470, 48], strides = [1, 1]} : vector<3472x48xf32> to vector<3470x48xf32>
    %add3A_117 = arith.addf %slice3A_115, %slice3A_116 : vector<3470x48xf32>
    %slice3A_118 = vector.extract_strided_slice %dot_general3A_108 {offsets = [2, 0], sizes = [3470, 48], strides = [1, 1]} : vector<3472x48xf32> to vector<3470x48xf32>
    %add3A_119 = arith.addf %add3A_117, %slice3A_118 : vector<3470x48xf32>
    %slice3A_120 = vector.extract_strided_slice %and3A {offsets = [1, 0], sizes = [3470, 48], strides = [1, 1]} : vector<3472x48xi1> to vector<3470x48xi1>
    %jit3A_121 = arith.constant 0.000000e+00 : f32
    %broadcast_in_dim3A_122 = vector.broadcast %jit3A_121 : f32 to vector<3470x48xf32>
    %select_n3A_123 = arith.select %slice3A_120, %add3A_119, %broadcast_in_dim3A_122 : vector<3470x48xi1>, vector<3470x48xf32>
    %get3A_124 = arith.constant 0 : index
    %get3A_125 = arith.constant 0 : index
    %get3A_126 = arith.constant 0 : index
    %get3A_127 = vector.load %arg14[%get3A_124, %get3A_125, %get3A_126] : memref<3x48x48xf32, #tpu.memory_space<vmem>>, vector<1x48x48xf32>
    %get3A_128 = vector.shape_cast %get3A_127 : vector<1x48x48xf32> to vector<48x48xf32>
    %dot_general3A_129 = arith.constant dense<0.000000e+00> : vector<3470x48xf32>
    %dot_general3A_130 = tpu.matmul %select_n3A_123, %get3A_128, %dot_general3A_129 {dimension_numbers = #tpu.dot_dimension_numbers<[1], [0], [0], [1], [0, 0, 1, 1], [], []>, transpose_lhs_hint = false} : vector<3470x48xf32>, vector<48x48xf32>, vector<3470x48xf32> -> vector<3470x48xf32>
    %get3A_131 = arith.constant 1 : index
    %get3A_132 = arith.constant 0 : index
    %get3A_133 = arith.constant 0 : index
    %get3A_134 = vector.load %arg14[%get3A_131, %get3A_132, %get3A_133] : memref<3x48x48xf32, #tpu.memory_space<vmem>>, vector<1x48x48xf32>
    %get3A_135 = vector.shape_cast %get3A_134 : vector<1x48x48xf32> to vector<48x48xf32>
    %dot_general3A_136 = arith.constant dense<0.000000e+00> : vector<3470x48xf32>
    %dot_general3A_137 = tpu.matmul %select_n3A_123, %get3A_135, %dot_general3A_136 {dimension_numbers = #tpu.dot_dimension_numbers<[1], [0], [0], [1], [0, 0, 1, 1], [], []>, transpose_lhs_hint = false} : vector<3470x48xf32>, vector<48x48xf32>, vector<3470x48xf32> -> vector<3470x48xf32>
    %get3A_138 = arith.constant 2 : index
    %get3A_139 = arith.constant 0 : index
    %get3A_140 = arith.constant 0 : index
    %get3A_141 = vector.load %arg14[%get3A_138, %get3A_139, %get3A_140] : memref<3x48x48xf32, #tpu.memory_space<vmem>>, vector<1x48x48xf32>
    %get3A_142 = vector.shape_cast %get3A_141 : vector<1x48x48xf32> to vector<48x48xf32>
    %dot_general3A_143 = arith.constant dense<0.000000e+00> : vector<3470x48xf32>
    %dot_general3A_144 = tpu.matmul %select_n3A_123, %get3A_142, %dot_general3A_143 {dimension_numbers = #tpu.dot_dimension_numbers<[1], [0], [0], [1], [0, 0, 1, 1], [], []>, transpose_lhs_hint = false} : vector<3470x48xf32>, vector<48x48xf32>, vector<3470x48xf32> -> vector<3470x48xf32>
    %slice3A_145 = vector.extract_strided_slice %dot_general3A_130 {offsets = [6, 0], sizes = [3456, 48], strides = [1, 1]} : vector<3470x48xf32> to vector<3456x48xf32>
    %slice3A_146 = vector.extract_strided_slice %dot_general3A_137 {offsets = [7, 0], sizes = [3456, 48], strides = [1, 1]} : vector<3470x48xf32> to vector<3456x48xf32>
    %add3A_147 = arith.addf %slice3A_145, %slice3A_146 : vector<3456x48xf32>
    %slice3A_148 = vector.extract_strided_slice %dot_general3A_144 {offsets = [8, 0], sizes = [3456, 48], strides = [1, 1]} : vector<3470x48xf32> to vector<3456x48xf32>
    %add3A_149 = arith.addf %add3A_147, %slice3A_148 : vector<3456x48xf32>
    %get3A_150 = arith.constant 0 : index
    %get3A_151 = arith.constant 0 : index
    %get3A_152 = vector.load %arg15[%get3A_150, %get3A_151] : memref<1x48xf32, #tpu.memory_space<vmem>>, vector<1x48xf32>
    %add3A_153 = vector.broadcast %get3A_152 : vector<1x48xf32> to vector<3456x48xf32>
    %add3A_154 = arith.addf %add3A_149, %add3A_153 : vector<3456x48xf32>
    %swap3A = arith.constant 0 : index
    %swap3A_155 = arith.constant 0 : index
    %swap3A_156 = arith.constant 0 : index
    %swap3A_157 = vector.load %arg16[%swap3A, %swap3A_155, %swap3A_156] : memref<1x3456x48xf32, #tpu.memory_space<vmem>>, vector<1x3456x48xf32>
    %swap3A_158 = vector.shape_cast %swap3A_157 : vector<1x3456x48xf32> to vector<3456x48xf32>
    %swap3A_159 = vector.shape_cast %add3A_154 : vector<3456x48xf32> to vector<1x3456x48xf32>
    tpu.vector_store %arg16[%swap3A, %swap3A_155, %swap3A_156], %swap3A_159 {strides = array<i32>} : memref<1x3456x48xf32, #tpu.memory_space<vmem>>, vector<1x3456x48xf32>,
    return
  }
  func.func @transform_0(%arg0: i32, %arg1: i32) -> (i32, i32, i32) {
    %c0_i32 = arith.constant 0 : i32
    %c0_i32_0 = arith.constant 0 : i32
    return %arg0, %arg1, %c0_i32 : i32, i32, i32
  }
  func.func @transform_1(%arg0: i32, %arg1: i32) -> (i32, i32, i32, i32) {
    %c0_i32 = arith.constant 0 : i32
    %c0_i32_0 = arith.constant 0 : i32
    %c0_i32_1 = arith.constant 0 : i32
    return %arg0, %arg1, %c0_i32, %c0_i32_0 : i32, i32, i32, i32
  }
  func.func @transform_2(%arg0: i32, %arg1: i32) -> (i32, i32, i32, i32) {
    %c0_i32 = arith.constant 0 : i32
    %c0_i32_0 = arith.constant 0 : i32
    %c0_i32_1 = arith.constant 0 : i32
    return %arg0, %arg1, %c0_i32, %c0_i32_0 : i32, i32, i32, i32
  }
  func.func @transform_3(%arg0: i32, %arg1: i32) -> (i32, i32, i32) {
    %c0_i32 = arith.constant 0 : i32
    %c0_i32_0 = arith.constant 0 : i32
    %c0_i32_1 = arith.constant 0 : i32
    return %arg0, %c0_i32, %c0_i32_0 : i32, i32, i32
  }
  func.func @transform_4(%arg0: i32, %arg1: i32) -> (i32, i32) {
    %c0_i32 = arith.constant 0 : i32
    %c0_i32_0 = arith.constant 0 : i32
    %c0_i32_1 = arith.constant 0 : i32
    return %c0_i32, %c0_i32_0 : i32, i32
  }
  func.func @transform_5(%arg0: i32, %arg1: i32) -> (i32, i32) {
    %c0_i32 = arith.constant 0 : i32
    %c0_i32_0 = arith.constant 0 : i32
    %c0_i32_1 = arith.constant 0 : i32
    return %c0_i32, %c0_i32_0 : i32, i32
  }
  func.func @transform_6(%arg0: i32, %arg1: i32) -> (i32, i32) {
    %c0_i32 = arith.constant 0 : i32
    %c0_i32_0 = arith.constant 0 : i32
    %c0_i32_1 = arith.constant 0 : i32
    return %c0_i32, %c0_i32_0 : i32, i32
  }
  func.func @transform_7(%arg0: i32, %arg1: i32) -> (i32, i32) {
    %c0_i32 = arith.constant 0 : i32
    %c0_i32_0 = arith.constant 0 : i32
    %c0_i32_1 = arith.constant 0 : i32
    return %c0_i32, %c0_i32_0 : i32, i32
  }
  func.func @transform_8(%arg0: i32, %arg1: i32) -> (i32, i32) {
    %c0_i32 = arith.constant 0 : i32
    %c0_i32_0 = arith.constant 0 : i32
    %c0_i32_1 = arith.constant 0 : i32
    return %c0_i32, %c0_i32_0 : i32, i32
  }
  func.func @transform_9(%arg0: i32, %arg1: i32) -> (i32, i32) {
    %c0_i32 = arith.constant 0 : i32
    %c0_i32_0 = arith.constant 0 : i32
    %c0_i32_1 = arith.constant 0 : i32
    return %c0_i32, %c0_i32_0 : i32, i32
  }
  func.func @transform_10(%arg0: i32, %arg1: i32) -> (i32, i32, i32) {
    %c0_i32 = arith.constant 0 : i32
    %c0_i32_0 = arith.constant 0 : i32
    %c0_i32_1 = arith.constant 0 : i32
    %c0_i32_2 = arith.constant 0 : i32
    return %c0_i32, %c0_i32_0, %c0_i32_1 : i32, i32, i32
  }
  func.func @transform_11(%arg0: i32, %arg1: i32) -> (i32, i32) {
    %c0_i32 = arith.constant 0 : i32
    %c0_i32_0 = arith.constant 0 : i32
    %c0_i32_1 = arith.constant 0 : i32
    return %c0_i32, %c0_i32_0 : i32, i32
  }
  func.func @transform_12(%arg0: i32, %arg1: i32) -> (i32, i32, i32) {
    %c0_i32 = arith.constant 0 : i32
    %c0_i32_0 = arith.constant 0 : i32
    %c0_i32_1 = arith.constant 0 : i32
    %c0_i32_2 = arith.constant 0 : i32
    return %c0_i32, %c0_i32_0, %c0_i32_1 : i32, i32, i32
  }
  func.func @transform_13(%arg0: i32, %arg1: i32) -> (i32, i32) {
    %c0_i32 = arith.constant 0 : i32
    %c0_i32_0 = arith.constant 0 : i32
    %c0_i32_1 = arith.constant 0 : i32
    return %c0_i32, %c0_i32_0 : i32, i32
  }
  func.func @transform_14(%arg0: i32, %arg1: i32) -> (i32, i32, i32) {
    %c0_i32 = arith.constant 0 : i32
    %c0_i32_0 = arith.constant 0 : i32
    return %arg0, %arg1, %c0_i32 : i32, i32, i32
  }
}

</mosaic_0001>

<sc_bundles>
// kernel: sparse-core-data-format-call.1.cloned.1.call-start
scs
called_computation.1_lowered:
.L_overlay_start_0:
0x0: {  	s1 =	sld [smem:$0x3FD9]  }
0x1: {  	s2 =	sld [smem:$0x3FFE];
	_ =	sdelay $0x1  }
0x2: {  	s3 =	srdreg.scid  }
0x3: {  	s0 =	sand.u32 $0x1, s3  }
0x4: {  	s17 =	sshll.u32 s0, $0xA;
	s1 =	sadd.s32 s2, s1  }
0x5: {  	s1 =	sadd.s32 s1, s17  }
0x6: {  	[smem:$0x3FC1] =	sst s1  }
0x7: {  	_ = 	snop  }
0x8: {  	(tm) =	ssettm $0x1  }
0x9: {  	s18 =	sld [smem:$0x3FFB];
	_ =	sdelay $0x3  }
0xa: {  	_ =	strace s18  }
0xb: {  	s1 =	sld [smem:$0x3FFC];
	_ =	sdelay $0x3  }
0xc: {  	_ =	strace s1  }
0xd: {  	s1 =	sld [smem:$0x3FFD];
	_ =	sdelay $0x3  }
0xe: {  	_ =	strace s1  }
0xf: {  	_ =	strace $0x8FFFFFFF  }
0x10: {  	s19 =	sld [smem:$0x3FDB];
	_ =	sdelay $0x1  }
0x11: {  	s20 =	simm.s32 $_scs_section_size  }
0x12: {  	s4 =	simm.s32 $_size__tile_overlayer_lowered;
	s5 =	simm.s32 $_tile_overlayer_lowered  }
0x13: {  	s23 =	simm.s32 $0x1BFF;
	s22 =	sshll.u32 s5, $0x1;
	s1 =	sadd.s32 s20, s19  }
0x14: {  	s6 =	simm.s32 $0x0;
	s21 =	sshll.u32 s4, $0x1;
	s4 =	sadd.s32 s22, s1  }
0x15: {  	[timem:s6], [sflag:s23] =	dma.local [hbm:s4], s21  }
0x16: {  	_ =	swait.ge [sflag:s23], s21  }
0x17: {  	s2 =	ssub.s32 $0x0, s21;
	[sflag:s23] =	ssyncset.done $0x0  }
0x18: {  	[sflag:s23] =	ssyncadd.s32 s2;
	_ =	sdelay $0x1  }
0x19: {  	s24 =	simm.s32 $0x1B8B  }
0x1a: {  	_ =	swait.ge [sflag:s24], $0x1  }
0x1b: {  	[sflag:s24] =	ssyncset.done $0x0  }
0x1c: {  	s26 =	simm.s32 $0x1B8E;
	s25 =	sld [smem:$0x3FFE];
	[sflag:s24] =	ssyncadd.s32 $0xFFFFFFFF  }
0x1d: {  	s27 =	simm.s32 $execute0_lowered;
	[smem:$0x3FD2] =	sst s26  }
0x1e: {  	s4 =	sshll.u32 s27, $0x1;
	_ =	strace $0x80000046;
	[dreg:$0x1] =	wrdreg $0xFFFFFFFF  }
0x1f: {  	s28 =	simm.s32 $_size_execute0_lowered;
	s1 =	sadd.s32 s1, s4;
	[dreg:$0x0] =	wrdreg $0x0  }
0x20: {  	s4 =	sshll.u32 s28, $0x1;
	[dreg:$0x2] =	wrdreg s1  }
0x21: {  	[dreg:$0x3] =	wrdreg s4  }
0x22: {  	[dreg:$0x4] =	wrdreg $0xC0  }
0x23: {  	_ =	task [dreg:s6], $0x5FFFF  }
0x24: {  	[dreg:$0x1] =	wrdreg $0xFFFFFFFF  }
0x25: {  	[dreg:$0x0] =	wrdreg $0x60  }
0x26: {  	[dreg:$0x2] =	wrdreg s25  }
0x27: {  	[dreg:$0x3] =	wrdreg $0x9  }
0x28: {  	_ =	task.clear_ibuf [dreg:s6], $0x4FFFF;
	_ =	strace $0x90000046  }
0x29: {  	s29 =	simm.s32 $0x9;
	_ =	strace $0x80000048  }
0x2a: {  	_ =	swait.ge [sflag:s29], $0x1  }
0x2b: {  	[sflag:s29] =	ssyncadd.s32 $0xFFFFFFFF  }
0x2c: {  	_ =	strace $0x90000048  }
0x2d: {  	_ =	sfence  }
0x2e: {  	s30 =	sld [smem:$0x0];
	_ =	sdelay $0x2  }
0x2f: {  	s31 =	sshll.u32 s3, $0xD;
	s3 =	sshrl.u32 s3, $0x2  }
0x30: {  	s2 =	sand.u32 $0x4000, s31;
	s1 =	sadd.s32 s3, s30  }
0x31: {  	s0 =	sor.u32 s2, s0;
	s1 =	sshll.u32 s1, $0x11  }
0x32: {  	s0 =	sor.u32 s1, s0  }
0x33: {  	s0 =	sadd.s32 $0x8F2B, s0  }
0x34: {  	[sflag:s0] =	ssyncadd.remote.s32 $0x1  }
0x35: {  	_ =	sfence.sel $0xFFFF  }
0x36: {  	[dreg:$0x0] =	wrdreg $0xFFFFFFFF;
	(pc) =	sbr.abs _section_cstart, $3  }
0x37: {  	[dreg:$0x1] =	wrdreg $0xFFFFFFFF  }
0x38: {  	_ =	task.clear_ibuf [dreg:s6], $0x2FFFF;
	_ =	strace $0x9FFFFFFF  }
0x39: {  	(tm) =	ssettm $0x7FFFFFFF  }
tec
execute0_lowered:
.L_overlay_start_1:
0x0: {  	(tag) =	ssettag $0x1  }
0x1: {  	s0 =	stileid.u32  }
0x2: {  	s1 =	srdreg.scid;
	s7 =	rddreg [dreg:$0x0];
	s8 =	simm.s32 $0x2  }
0x3: {  	s18 =	simm.s32 $0x0;
	s9 =	simm.s32 $0x300;
	s10 =	simm.s32 $0x800  }
0x4: {  	s20 =	simm.s32 $0x0;
	s19 =	simm.s32 $0x0;
	s3 =	ssub.s32 $0xC, s0  }
0x5: {  	s21 =	simm.s32 $0x0;
	s2 =	sand.u32 $0x1, s1;
	p0 =	sgt.s32 s3, $0x0  }
0x6: {  	s22 =	simm.s32 $0x0;
	s1 =	ssub.s32 $0xC, s2;
	s3 =	simm.s32 @!p0 $0x0  }
0x7: {  	s23 =	simm.s32 $0x0;
	s4 =	sshrl.u32 s1, $0x1;
	s3 =	sadd.s32 $0xF, s3  }
0x8: {  	s11 =	simm.s32 $0x0;
	s4 =	ssub.s32 s1, s4;
	s3 =	sshrl.u32 s3, $0x4  }
0x9: {  	s12 =	simm.s32 $0x0;
	s13 =	simm.s32 $0x0;
	s5 =	smul.u32 s4, s3  }
.Ltmp0:
0xa: {  	s14 =	simm.s32 $0x0;
	s16 =	stileid.u32;
	(pc) =	sbr.rel .LBB1_1-.Ltmp0, $4  }
0xb: {  	s17 =	simm.s32 $0x0;
	s6 =	sadd.s32 $0x1E7A00, s7;
	s1 =	rddreg [dreg:$0x1]  }
0xc: {  	_ =	strace $0x80000047;
	s4 =	simm.s32 $0x1;
	s5 =	smul.u32 $0x24, s5  }
0xd: {  	s15 =	smov.u32 s2;
	s3 =	sadd.s32 $0x1A00, s7;
	[sflag:s4] =	ssyncpa.u1 $0x0  }
0xe: {  	s7 =	sadd.s32 $0xF67A00, s7;
	[sflag:s8] =	ssyncpa.u1 $0x0;
	s8 =	sor.u32 $0x1, s5  }
.LBB1_9:
0xf: {  	s24 =	sadd.s32 $0x80, s11  }
0x10: {  	s18 =	sadd.s32 $0x2, s12;
	s25 =	smov.u32 s12;
	p1 =	sgt.s32 s24, $0x17F  }
0x11: {  	s25 =	smov.u32 @p1 s18  }
0x12: {  	s26 =	smov.u32 s13;
	s18 =	sadd.s32 $0x10, s13;
	p2 =	sgt.s32 s25, $0x1  }
0x13: {  	s26 =	smov.u32 @p2 s18  }
0x14: {  	s18 =	simm.s32 $0x1;
	p3 =	sgt.s32 s26, $0xB  }
0x15: {  	s18 =	simm.s32 @!p3 $0x0  }
0x16: {  	s28 =	smov.u32 s15;
	p0 =	slt.u32 s17, $0x2;
	s27 =	sadd.s32 s18, s14  }
0x17: {  	s29 =	smov.u32 s16;
	s18 =	sadd.s32 $0x2, s15;
	p4 =	sgt.s32 s27, $0xB  }
0x18: {  	s20 =	smov.u32 s12;
	s19 =	smov.u32 s13;
	s28 =	smov.u32 @p4 s18  }
0x19: {  	s24 =	simm.s32 @p1 $0x0;
	s18 =	sadd.s32 $0x10, s16;
	p1 =	sgt.s32 s28, $0xB  }
0x1a: {  	s21 =	smov.u32 s14;
	s22 =	smov.u32 s15;
	s29 =	smov.u32 @p1 s18  }
0x1b: {  	s30 =	simm.s32 @!p0 $0x2;
	s28 =	smov.u32 @p1 s2;
	p1 =	sgt.s32 s29, $0xB  }
0x1c: {  	_ =	swait.ge @!p0 [sflag:s30], $0x1000;
	s29 =	smov.u32 @p1 s0;
	p1 =	sne.s32 s17, s8  }
.Ltmp1:
0x1d: {  	s23 =	smov.u32 s16;
	[sflag:s30] =	ssyncset.done @!p0 $0x0;
	(pc) =	sbr.rel @!p1 .LBB1_10-.Ltmp1, $4  }
0x1e: {  	s25 =	simm.s32 @p2 $0x0;
	[sflag:s30] =	ssyncadd.s32 @!p0 $0xFFFFF000;
	s26 =	simm.s32 @p3 $0x0  }
0x1f: {  	s12 =	smov.u32 s25;
	s13 =	smov.u32 s26;
	s27 =	simm.s32 @p4 $0x0  }
0x20: {  	s14 =	smov.u32 s27;
	s18 =	smov.u32 s11;
	s11 =	smov.u32 s24  }
0x21: {  	s15 =	smov.u32 s28;
	s17 =	sadd.s32 $0x1, s17;
	s16 =	smov.u32 s29  }
.LBB1_1:
0x22: {  	p0 =	sge.u32 s17, s5  }
.Ltmp2:
0x23: {  	_ = 	snop;
	(pc) =	sbr.rel @p0 .LBB1_3-.Ltmp2, $1  }
0x24: {  	_ =	sdelay $0x3  }
0x25: {  	s24 =	sshrl.u32 s12, $0x1  }
0x26: {  	s25 =	sshll.u32 s11, $0x1;
	s26 =	sand.u32 $0x7F, s11;
	s27 =	sshll.u32 s12, $0x7  }
0x27: {  	p0 =	sgt.s32 s16, $0xB;
	s30 =	sshra.s32 s16, $0x1F;
	s28 =	smov.u32 s15  }
0x28: {  	s24 =	smul.u32 $0x300, s24;
	s29 =	sand.u32 $0x80, s27;
	s27 =	smov.u32 s16  }
0x29: {  	s25 =	sand.u32 $0xFFFFFF00, s25;
	s27 =	simm.s32 @!p0 $0xB;
	p0 =	sgt.s32 s15, $0xB  }
0x2a: {  	s24 =	sadd.s32 s24, s25;
	s25 =	sand.u32 s30, s16;
	s28 =	simm.s32 @!p0 $0xB  }
0x2b: {  	s24 =	sor.u32 s29, s24;
	s29 =	sshra.s32 s15, $0x1F;
	s25 =	ssub.s32 s27, s25  }
0x2c: {  	s31 =	sand.u32 s29, s15;
	s26 =	sor.u32 s26, s24;
	s30 =	sadd.s32 $0xFFFFFFF5, s25  }
0x2d: {  	s25 =	ssub.s32 $0xC, s25;
	s24 =	smulhi.u32 $0xAAAAAAAB, s24;
	s27 =	ssub.s32 s28, s31  }
0x2e: {  	p0 =	sgt.s32 s30, $0x0;
	s31 =	sshra.s32 s14, $0x1F;
	s28 =	sadd.s32 $0xFFFFFFF5, s27  }
0x2f: {  	s25 =	simm.s32 @p0 $0x0;
	s27 =	ssub.s32 $0xC, s27;
	p0 =	sgt.s32 s28, $0x0  }
0x30: {  	s28 =	smov.u32 s14;
	s27 =	simm.s32 @p0 $0x0;
	p0 =	sgt.s32 s14, $0xB  }
0x31: {  	s30 =	sand.u32 s31, s14;
	s31 =	sshra.s32 s13, $0x1F;
	s28 =	simm.s32 @!p0 $0xB  }
0x32: {  	s29 =	sand.u32 s31, s13;
	s25 =	smul.u32 s25, s27;
	s27 =	ssub.s32 s28, s30  }
0x33: {  	p0 =	sgt.s32 s13, $0xFFFFFFFC;
	s28 =	smov.u32 s13;
	s30 =	sadd.s32 $0xFFFFFFF5, s27  }
0x34: {  	s28 =	simm.s32 @!p0 $0xFFFFFFFC;
	s27 =	ssub.s32 $0xC, s27;
	p0 =	sgt.s32 s30, $0x0  }
0x35: {  	s28 =	ssub.s32 s28, s29;
	s29 =	smulhi.u32 $0xAAAAAAAB, s26;
	s27 =	simm.s32 @p0 $0x0  }
0x36: {  	s31 =	sadd.s32 $0x4, s28;
	s25 =	smul.u32 s27, s25  }
0x37: {  	p0 =	sgt.s32 s31, $0xF;
	s27 =	ssub.s32 $0xC, s28;
	s28 =	sshrl.u32 s29, $0x8  }
0x38: {  	s29 =	smov.u32 s11;
	s31 =	sshra.s32 s11, $0x1F;
	s27 =	simm.s32 @p0 $0x0  }
0x39: {  	p0 =	sgt.s32 s11, $0x100;
	s30 =	sand.u32 s31, s11;
	s28 =	smul.u32 $0x180, s28  }
0x3a: {  	s25 =	smul.u32 s27, s25;
	s27 =	ssub.s32 $0x0, s12;
	s29 =	simm.s32 @!p0 $0x100  }
0x3b: {  	s31 =	sxor.u32 $0xFFFFFFFF, s17;
	s27 =	smin.u32 s12, s27;
	s29 =	ssub.s32 s29, s30  }
0x3c: {  	s26 =	ssub.s32 s26, s28;
	p0 =	sgt.s32 s27, $0x1;
	s27 =	ssub.s32 $0x2, s27  }
0x3d: {  	s28 =	smul.u32 $0x3600, s15;
	s30 =	sadd.s32 $0xFFFFFF00, s29;
	s27 =	simm.s32 @p0 $0x0  }
0x3e: {  	p0 =	sgt.s32 s30, $0x7F;
	s25 =	smul.u32 s27, s25;
	s27 =	ssub.s32 $0x180, s29  }
0x3f: {  	s30 =	sshll.u32 s31, $0xC;
	s31 =	smul.u32 $0x28800, s16;
	s27 =	simm.s32 @p0 $0x0  }
0x40: {  	s24 =	sshrl.u32 s24, $0x8;
	s25 =	smul.u32 s27, s25  }
0x41: {  	s29 =	sadd.s32 s3, s31;
	s27 =	sand.u32 $0x1000, s30;
	s30 =	smul.u32 $0x480, s14  }
0x42: {  	s24 =	sand.u32 $0x1, s24;
	s31 =	smul.u32 $0x60, s13;
	s28 =	sadd.s32 s28, s29  }
0x43: {  	p0 =	seq.s32 s24, $0x1;
	s24 =	simm.s32 $0x30;
	s28 =	sadd.s32 s30, s28  }
0x44: {  	s24 =	simm.s32 @!p0 $0x0;
	s28 =	sadd.s32 s31, s28;
	s31 =	sand.u32 $0x7, s26  }
0x45: {  	s26 =	sshrl.u32 s26, $0x3;
	s24 =	sadd.s32 s24, s28;
	s30 =	sshll.u32 s31, $0x12  }
0x46: {  	s25 =	sand.u32 $0x3FFFFFFF, s25;
	s24 =	sadd.s32 s26, s24;
	s31 =	sor.u32 $0x100, s30  }
0x47: {  	[tilespmem:s27], [sflag:$0x1] =	stream.strided.gather [hbm4b:s24+s31], s25, s9, s31, $0x38;
	[tilespmem:$0x4200] =	vst v63  }
.LBB1_3:
0x48: {  	s24 =	sadd.s32 $0xFFFFFFFF, s17  }
0x49: {  	p0 =	sge.u32 s24, s5  }
.Ltmp3:
0x4a: {  	_ = 	snop;
	(pc) =	sbr.rel @p0 .LBB1_9-.Ltmp3, $1  }
0x4b: {  	_ =	sdelay $0x3  }
0x4c: {  	p0 =	sgt.s32 s23, $0xB;
	s24 =	smov.u32 s23;
	s25 =	sshra.s32 s23, $0x1F  }
0x4d: {  	s26 =	smov.u32 s22;
	s24 =	simm.s32 @!p0 $0xB;
	s25 =	sand.u32 s25, s23  }
0x4e: {  	s27 =	sshra.s32 s22, $0x1F;
	p0 =	sgt.s32 s22, $0xB;
	s24 =	ssub.s32 s24, s25  }
0x4f: {  	s31 =	sand.u32 s27, s22;
	s26 =	simm.s32 @!p0 $0xB;
	s27 =	sadd.s32 $0xFFFFFFF5, s24  }
0x50: {  	s25 =	ssub.s32 s26, s31;
	s24 =	ssub.s32 $0xC, s24;
	p0 =	sgt.s32 s27, $0x0  }
0x51: {  	s26 =	sadd.s32 $0xFFFFFFF5, s25;
	s25 =	ssub.s32 $0xC, s25;
	s27 =	sshra.s32 s21, $0x1F  }
0x52: {  	s24 =	simm.s32 @p0 $0x0;
	p0 =	sgt.s32 s26, $0x0;
	s26 =	smov.u32 s21  }
0x53: {  	s28 =	sand.u32 s27, s21;
	s25 =	simm.s32 @p0 $0x0;
	p0 =	sgt.s32 s21, $0xB  }
0x54: {  	s27 =	sshra.s32 s19, $0x1F;
	s24 =	smul.u32 s24, s25;
	s26 =	simm.s32 @!p0 $0xB  }
0x55: {  	p0 =	sgt.s32 s19, $0xFFFFFFFC;
	s25 =	ssub.s32 s26, s28;
	s26 =	smov.u32 s19  }
0x56: {  	s27 =	sand.u32 s27, s19;
	s28 =	sadd.s32 $0xFFFFFFF5, s25;
	s26 =	simm.s32 @!p0 $0xFFFFFFFC  }
0x57: {  	s25 =	ssub.s32 $0xC, s25;
	p0 =	sgt.s32 s28, $0x0;
	s26 =	ssub.s32 s26, s27  }
0x58: {  	s25 =	simm.s32 @p0 $0x0;
	s27 =	sadd.s32 $0x4, s26  }
0x59: {  	s29 =	ssub.s32 $0x0, s20;
	s24 =	smul.u32 s25, s24;
	p0 =	sgt.s32 s27, $0xF  }
0x5a: {  	s25 =	ssub.s32 $0xC, s26;
	s26 =	smov.u32 s18;
	s27 =	sshra.s32 s18, $0x1F  }
0x5b: {  	s25 =	simm.s32 @p0 $0x0;
	p0 =	sgt.s32 s18, $0x100;
	s27 =	sand.u32 s27, s18  }
0x5c: {  	s24 =	smul.u32 s25, s24;
	s25 =	smin.u32 s20, s29;
	s26 =	simm.s32 @!p0 $0x100  }
0x5d: {  	p0 =	sgt.s32 s25, $0x1;
	s25 =	ssub.s32 $0x2, s25;
	s26 =	ssub.s32 s26, s27  }
0x5e: {  	s25 =	simm.s32 @p0 $0x0;
	s27 =	sadd.s32 $0xFFFFFF00, s26  }
0x5f: {  	s24 =	smul.u32 s25, s24;
	p0 =	sgt.s32 s27, $0x7F;
	s25 =	ssub.s32 $0x180, s26  }
0x60: {  	s25 =	simm.s32 @p0 $0x0  }
0x61: {  	s24 =	smul.u32 s25, s24;
	_ =	sdelay $0x1  }
0x62: {  	s30 =	sand.u32 $0x1, s17;
	s24 =	sand.u32 $0x3FFFFFFF, s24  }
0x63: {  	s31 =	smul.u32 $0x4400, s30;
	_ =	swait.ge [sflag:s4], s24  }
0x64: {  	s24 =	ssub.s32 $0x0, s24;
	[sflag:s4] =	ssyncset.done $0x0  }
0x65: {  	[sflag:s4] =	ssyncadd.s32 s24;
	s24 =	sshrl.u32 s31, $0x2  }
0x66: {  	s26 =	sshll.u32 s30, $0xC;
	s27 =	simm.s32 $0x0;
	s25 =	sor.u32 $0x2000, s24  }
.LBB1_5:
0x67: {  	s28 =	sshll.u32 s27, $0x8  }
0x68: {  	s28 =	sand.u32 $0x3FFFFF00, s28  }
0x69: {  	s28 =	sadd.s32 s28, s26  }
0x6a: {  	v0 =	vmov s28;
	_ =	sdelay $0x1  }
0x6b: {  	p0 =	por $0x1, $0x1;
	s28 =	simm.s32 $0x0  }
.LBB1_6:
0x6c: {  	s29 =	sshll.u32 s28, $0x7  }
0x6d: {  	s29 =	sand.u32 $0x3FFFFF80, s29  }
0x6e: {  	s28 =	smul.u32 $0x2200, s28;
	v1 =	vld.idx.msk [tilespmem:v0+s29+$0x0 ss:$0x1], $0xffff  }
0x6f: {  	v2 =	vld.idx.msk [tilespmem:v0+s29+$0x10 ss:$0x1], $0xffff  }
0x70: {  	s28 =	sshra.s32 s28, $0x2;
	v3 =	vld.idx.msk [tilespmem:v0+s29+$0x20 ss:$0x1], $0xffff  }
0x71: {  	v4 =	vld.idx.msk [tilespmem:v0+s29+$0x30 ss:$0x1], $0xffff;
	s28 =	sadd.s32 s28, s25  }
0x72: {  	v5 =	vld.idx.msk [tilespmem:v0+s29+$0x40 ss:$0x1], $0xffff;
	s28 =	sadd.s32 s27, s28  }
0x73: {  	[tilespmem:s28+$0x0 ss:$0x11] =	vst.msk $0xffff, v1;
	v1 =	vld.idx.msk [tilespmem:v0+s29+$0x50 ss:$0x1], $0xffff  }
0x74: {  	[tilespmem:s28+$0x110 ss:$0x11] =	vst.msk $0xffff, v2;
	v2 =	vld.idx.msk [tilespmem:v0+s29+$0x60 ss:$0x1], $0xffff  }
0x75: {  	p1 =	por p0, p0;
	[tilespmem:s28+$0x220 ss:$0x11] =	vst.msk $0xffff, v3;
	v3 =	vld.idx.msk [tilespmem:v0+s29+$0x70 ss:$0x1], $0xffff  }
.Ltmp4:
0x76: {  	[tilespmem:s28+$0x330 ss:$0x11] =	vst.msk $0xffff, v4;
	(pc) =	sbr.rel @p1 .LBB1_6-.Ltmp4, $4  }
0x77: {  	[tilespmem:s28+$0x440 ss:$0x11] =	vst.msk $0xffff, v5  }
0x78: {  	[tilespmem:s28+$0x550 ss:$0x11] =	vst.msk $0xffff, v1  }
0x79: {  	[tilespmem:s28+$0x660 ss:$0x11] =	vst.msk $0xffff, v2  }
0x7a: {  	p0 =	por $0x0, $0x0;
	[tilespmem:s28+$0x770 ss:$0x11] =	vst.msk $0xffff, v3;
	s28 =	simm.s32 $0x1  }
0x7b: {  	s27 =	sadd.s32 $0x1, s27  }
0x7c: {  	p0 =	sne.s32 s27, $0x10  }
.Ltmp5:
0x7d: {  	_ = 	snop;
	(pc) =	sbr.rel @p0 .LBB1_5-.Ltmp5, $1  }
0x7e: {  	_ =	sdelay $0x3  }
0x7f: {  	s23 =	smul.u32 $0x120000, s23  }
0x80: {  	s22 =	sshll.u32 s22, $0x7;
	s21 =	smul.u32 $0x18000, s21  }
0x81: {  	s26 =	sshll.u32 s19, $0x3;
	s20 =	smul.u32 $0xD80000, s20;
	s29 =	sshrl.u32 s19, $0x3  }
0x82: {  	s18 =	sshll.u32 s18, $0x8;
	s30 =	sand.u32 $0x7, s19;
	s27 =	sand.u32 $0x400, s22  }
0x83: {  	s26 =	sand.u32 $0x400, s26;
	s22 =	sand.u32 $0x380, s22;
	s19 =	sshll.u32 s30, $0x12  }
0x84: {  	s26 =	sadd.s32 s27, s26;
	s28 =	sadd.s32 s23, s21;
	s23 =	sadd.s32 s23, s7  }
0x85: {  	s22 =	sor.u32 s22, s26;
	s27 =	sadd.s32 s6, s28;
	s26 =	sand.u32 $0xF, s29  }
0x86: {  	s21 =	sadd.s32 s21, s23;
	s22 =	sshrl.u32 s22, $0x3;
	s27 =	sadd.s32 s20, s27  }
0x87: {  	s20 =	sadd.s32 s20, s21;
	s27 =	sadd.s32 s26, s27;
	s22 =	sand.u32 $0xF0, s22  }
.Ltmp6:
0x88: {  	s20 =	sadd.s32 s26, s20;
	s27 =	sadd.s32 s18, s27;
	(pc) =	sbr.rel .LBB1_9-.Ltmp6, $4  }
0x89: {  	s19 =	sor.u32 $0x10, s19;
	s18 =	sadd.s32 s18, s20;
	s27 =	sadd.s32 s22, s27  }
0x8a: {  	[hbm4b:s27+s19] =	stream.strided.scatter [tilespmem:s25], [sflag:$0x2], $0x800, s10, s19, $0x8;
	[tilespmem:$0x4200] =	vst v63  }
0x8b: {  	s31 =	sadd.s32 $0x2880, s24;
	s18 =	sadd.s32 s22, s18  }
0x8c: {  	[hbm4b:s18+s19] =	stream.strided.scatter [tilespmem:s31], [sflag:$0x2], $0x800, s10, s19, $0x8;
	[tilespmem:$0x4200] =	vst v63  }
.LBB1_10:
0x8d: {  	_ =	sfence.sel $0x180000  }
0x8e: {  	s2 =	simm.s32 $0x1;
	[bflag:$0x0] =	sbarrier.arrive $0xFFFF  }
0x8f: {  	s31 =	simm.s32 $0x2;
	[sflag:s2] =	ssyncpa.u1 $0x1  }
0x90: {  	[sflag:s31] =	ssyncpa.u1 $0x1  }
0x91: {  	p0 =	sne.s32 s0, $0x0;
	_ =	strace $0x90000047  }
0x92: {  	s0 =	sadd.s32 @!p0 $0x100000, s1;
	[bflag:$0x2] =	sbarrier.arrive $0xFFFF  }
0x93: {  	[sflag:s0] =	ssyncadd.tile.s32 @!p0 $0x1;
	_ =	shalt  }
.Lfunc_end1:
_tile_overlayer_lowered:
.L_overlay_start_2:
0x94: {  	(tag) =	ssettag $0x2  }
0x95: {  	s0 =	rddreg [dreg:$0x0];
	s2 =	stileid.u32  }
0x96: {  	s1 =	rddreg [dreg:$0x1];
	p0 =	sne.s32 s2, $0x0  }
0x97: {  	s3 =	rddreg [dreg:$0x2];
	[bflag:$0x3] =	sbarrier.arrive $0xFFFF;
	s2 =	simm.s32 @!p0 $0x1C01  }
0x98: {  	[timem:s3], [sflag:s2] =	dma.local @!p0 [hbm:s0], s1  }
0x99: {  	s0 =	simm.s32 @!p0 $0x1  }
0x9a: {  	_ =	swait.ge @!p0 [sflag:s0], s1  }
0x9b: {  	s1 =	ssub.s32 @!p0 $0x0, s1;
	[sflag:s0] =	ssyncset.done @!p0 $0x0  }
0x9c: {  	[sflag:s0] =	ssyncadd.s32 @!p0 s1  }
0x9d: {  	[bflag:$0x3] =	sbarrier.arrive $0xFFFF  }
0x9e: {  	_ =	shalt  }

// kernel: sparse-core-data-format-call.cloned.1.call-start
scs
called_computation_lowered:
.L_overlay_start_0:
0x0: {  	s1 =	sld [smem:$0x3FD9]  }
0x1: {  	s2 =	sld [smem:$0x3FFE];
	_ =	sdelay $0x1  }
0x2: {  	s3 =	srdreg.scid  }
0x3: {  	s0 =	sand.u32 $0x1, s3  }
0x4: {  	s17 =	sshll.u32 s0, $0xA;
	s1 =	sadd.s32 s2, s1  }
0x5: {  	s1 =	sadd.s32 s1, s17  }
0x6: {  	[smem:$0x3FC1] =	sst s1  }
0x7: {  	_ = 	snop  }
0x8: {  	(tm) =	ssettm $0x1  }
0x9: {  	s18 =	sld [smem:$0x3FFB];
	_ =	sdelay $0x3  }
0xa: {  	_ =	strace s18  }
0xb: {  	s1 =	sld [smem:$0x3FFC];
	_ =	sdelay $0x3  }
0xc: {  	_ =	strace s1  }
0xd: {  	s1 =	sld [smem:$0x3FFD];
	_ =	sdelay $0x3  }
0xe: {  	_ =	strace s1  }
0xf: {  	_ =	strace $0x8FFFFFFF  }
0x10: {  	s19 =	sld [smem:$0x3FDB];
	_ =	sdelay $0x1  }
0x11: {  	s20 =	simm.s32 $_scs_section_size  }
0x12: {  	s4 =	simm.s32 $_size__tile_overlayer_lowered;
	s5 =	simm.s32 $_tile_overlayer_lowered  }
0x13: {  	s23 =	simm.s32 $0x1BFF;
	s22 =	sshll.u32 s5, $0x1;
	s1 =	sadd.s32 s20, s19  }
0x14: {  	s6 =	simm.s32 $0x0;
	s21 =	sshll.u32 s4, $0x1;
	s4 =	sadd.s32 s22, s1  }
0x15: {  	[timem:s6], [sflag:s23] =	dma.local [hbm:s4], s21  }
0x16: {  	_ =	swait.ge [sflag:s23], s21  }
0x17: {  	s2 =	ssub.s32 $0x0, s21;
	[sflag:s23] =	ssyncset.done $0x0  }
0x18: {  	[sflag:s23] =	ssyncadd.s32 s2;
	_ =	sdelay $0x1  }
0x19: {  	s24 =	simm.s32 $0x1B8B  }
0x1a: {  	_ =	swait.ge [sflag:s24], $0x1  }
0x1b: {  	[sflag:s24] =	ssyncset.done $0x0  }
0x1c: {  	s26 =	simm.s32 $0x1B8E;
	s25 =	sld [smem:$0x3FFE];
	[sflag:s24] =	ssyncadd.s32 $0xFFFFFFFF  }
0x1d: {  	s27 =	simm.s32 $execute0_lowered;
	[smem:$0x3FD2] =	sst s26  }
0x1e: {  	s4 =	sshll.u32 s27, $0x1;
	_ =	strace $0x80000049;
	[dreg:$0x1] =	wrdreg $0xFFFFFFFF  }
0x1f: {  	s28 =	simm.s32 $_size_execute0_lowered;
	s1 =	sadd.s32 s1, s4;
	[dreg:$0x0] =	wrdreg $0x0  }
0x20: {  	s4 =	sshll.u32 s28, $0x1;
	[dreg:$0x2] =	wrdreg s1  }
0x21: {  	[dreg:$0x3] =	wrdreg s4  }
0x22: {  	[dreg:$0x4] =	wrdreg $0xC0  }
0x23: {  	_ =	task [dreg:s6], $0x5FFFF  }
0x24: {  	[dreg:$0x1] =	wrdreg $0xFFFFFFFF  }
0x25: {  	[dreg:$0x0] =	wrdreg $0x60  }
0x26: {  	[dreg:$0x2] =	wrdreg s25  }
0x27: {  	[dreg:$0x3] =	wrdreg $0x9  }
0x28: {  	_ =	task.clear_ibuf [dreg:s6], $0x4FFFF;
	_ =	strace $0x90000049  }
0x29: {  	s29 =	simm.s32 $0x9;
	_ =	strace $0x8000004B  }
0x2a: {  	_ =	swait.ge [sflag:s29], $0x1  }
0x2b: {  	[sflag:s29] =	ssyncadd.s32 $0xFFFFFFFF  }
0x2c: {  	_ =	strace $0x9000004B  }
0x2d: {  	_ =	sfence  }
0x2e: {  	s30 =	sld [smem:$0x0];
	_ =	sdelay $0x2  }
0x2f: {  	s31 =	sshll.u32 s3, $0xD;
	s3 =	sshrl.u32 s3, $0x2  }
0x30: {  	s2 =	sand.u32 $0x4000, s31;
	s1 =	sadd.s32 s3, s30  }
0x31: {  	s0 =	sor.u32 s2, s0;
	s1 =	sshll.u32 s1, $0x11  }
0x32: {  	s0 =	sor.u32 s1, s0  }
0x33: {  	s0 =	sadd.s32 $0x8F2B, s0  }
0x34: {  	[sflag:s0] =	ssyncadd.remote.s32 $0x1  }
0x35: {  	_ =	sfence.sel $0xFFFF  }
0x36: {  	[dreg:$0x0] =	wrdreg $0xFFFFFFFF;
	(pc) =	sbr.abs _section_cstart, $3  }
0x37: {  	[dreg:$0x1] =	wrdreg $0xFFFFFFFF  }
0x38: {  	_ =	task.clear_ibuf [dreg:s6], $0x2FFFF;
	_ =	strace $0x9FFFFFFF  }
0x39: {  	(tm) =	ssettm $0x7FFFFFFF  }
tec
execute0_lowered:
.L_overlay_start_1:
0x0: {  	(tag) =	ssettag $0x1  }
0x1: {  	s4 =	rddreg [dreg:$0x0]  }
0x2: {  	s0 =	rddreg [dreg:$0x1];
	s1 =	stileid.u32;
	_ =	strace $0x8000004A  }
0x3: {  	s5 =	srdreg.scid;
	s9 =	simm.s32 $0x2;
	s18 =	simm.s32 $0x0  }
0x4: {  	p0 =	por $0x0, $0x0;
	s10 =	simm.s32 $0xD800;
	s11 =	simm.s32 $0x9000  }
0x5: {  	s20 =	simm.s32 $0x0;
	s17 =	simm.s32 $0x0;
	s19 =	simm.s32 $0x0  }
0x6: {  	s12 =	simm.s32 $0x0;
	s16 =	simm.s32 $0x0;
	s2 =	sand.u32 $0x1, s1  }
0x7: {  	s3 =	sadd.s32 $0x1A00, s4;
	s5 =	sshll.u32 s5, $0x4;
	s4 =	sadd.s32 $0x1E7A00, s4  }
0x8: {  	s8 =	sshll.u32 s1, $0x6;
	s6 =	ssub.s32 $0x2, s2;
	s5 =	sand.u32 $0x10, s5  }
.Ltmp0:
0x9: {  	s7 =	sshrl.u32 s6, $0x1;
	s6 =	sand.u32 $0x1, s6;
	(pc) =	sbr.rel .LBB1_1-.Ltmp0, $4  }
0xa: {  	s8 =	sand.u32 $0x80, s8;
	s15 =	smov.u32 s2;
	s7 =	sadd.s32 s6, s7  }
0xb: {  	s5 =	sor.u32 s1, s5;
	s6 =	simm.s32 $0x1;
	s7 =	smul.u32 $0x36, s7  }
0xc: {  	s14 =	smov.u32 s8;
	s5 =	sshrl.u32 s5, $0x2;
	[sflag:s6] =	ssyncpa.u1 $0x0  }
0xd: {  	s13 =	smov.u32 s5;
	[sflag:s9] =	ssyncpa.u1 $0x0;
	s9 =	sor.u32 $0x1, s7  }
.LBB1_6:
0xe: {  	s26 =	sshll.u32 s20, $0x8;
	s27 =	sshll.u32 s17, $0x3;
	v5 =	vld [tilespmem:s24+$0xFFFFFFD0];
	[tilespmem:s23+$0x2040 ss:$0x81] =	vst.msk $0xffff, v4  }
0xf: {  	s30 =	sshll.u32 s20, $0x7;
	v58 =	vld [tilespmem:s24+$0xFFFFFFE0];
	[tilespmem:s23+$0x2850 ss:$0x81] =	vst.msk $0xffff, v2;
	s26 =	sand.u32 $0xFFFFF800, s26;
	s27 =	sand.u32 $0xFFFFFC00, s27  }
0x10: {  	s25 =	sshra.s32 s25, $0x2;
	v59 =	vld [tilespmem:s24+$0xFFFFFFF0];
	[tilespmem:s23+$0x3060 ss:$0x81] =	vst.msk $0xffff, v3;
	s31 =	sand.u32 $0x300, s30;
	s26 =	sadd.s32 s27, s26  }
0x11: {  	v60 =	vld [tilespmem:s24+$0x0];
	[tilespmem:s23+$0x0 ss:$0x81] =	vst.msk $0xffff, v0;
	s22 =	sadd.s32 s25, s22;
	s26 =	sor.u32 s31, s26  }
0x12: {  	v61 =	vld [tilespmem:s24+$0x10];
	s19 =	smul.u32 $0x1B0000, s19;
	[tilespmem:s22+$0x3870 ss:$0x81] =	vst.msk $0xffff, v1;
	s26 =	sshrl.u32 s26, $0x8  }
0x13: {  	v62 =	vld [tilespmem:s24+$0x20];
	s28 =	smulhi.u32 $0x1C71C72, s26;
	[tilespmem:s22+$0x810 ss:$0x81] =	vst.msk $0xffff, v5  }
0x14: {  	v63 =	vld [tilespmem:s24+$0xFFFFFFC0];
	s18 =	smul.u32 $0x1200, s18;
	[tilespmem:s22+$0x1020 ss:$0x81] =	vst.msk $0xffff, v58  }
0x15: {  	s29 =	sand.u32 $0x78, s17;
	s20 =	sand.u32 $0x80, s30;
	[tilespmem:s22+$0x1830 ss:$0x81] =	vst.msk $0xffff, v59;
	s23 =	smul.u32 $0x90, s28  }
0x16: {  	s30 =	sand.u32 $0x7, s17;
	s20 =	sor.u32 s29, s20;
	s19 =	sadd.s32 s4, s19;
	[tilespmem:s22+$0x2040 ss:$0x81] =	vst.msk $0xffff, v60  }
0x17: {  	s20 =	sshrl.u32 s20, $0x3;
	s18 =	sadd.s32 s18, s19;
	[tilespmem:s22+$0x2850 ss:$0x81] =	vst.msk $0xffff, v61;
	s23 =	ssub.s32 s26, s23  }
0x18: {  	s17 =	sshll.u32 s30, $0x12;
	s18 =	sadd.s32 s20, s18;
	[tilespmem:s22+$0x3060 ss:$0x81] =	vst.msk $0xffff, v62;
	s31 =	sshll.u32 s23, $0x5  }
0x19: {  	s17 =	sor.u32 $0x80, s17;
	[tilespmem:s22+$0x0 ss:$0x81] =	vst.msk $0xffff, v63;
	s18 =	sadd.s32 s31, s18  }
0x1a: {  	[hbm4b:s18+s17] =	stream.strided.scatter [tilespmem:s21], [sflag:$0x2], $0x4000, s11, s17, $0x20;
	[tilespmem:$0x10100] =	vst v63  }
.LBB1_7:
0x1b: {  	s21 =	sadd.s32 $0x80, s12  }
0x1c: {  	s17 =	sadd.s32 $0x8, s13;
	s22 =	smov.u32 s13;
	p2 =	sgt.s32 s21, $0x17F  }
0x1d: {  	s22 =	smov.u32 @p2 s17  }
0x1e: {  	s23 =	smov.u32 s14;
	s17 =	sadd.s32 $0x100, s14;
	p3 =	sgt.s32 s22, $0x8F  }
0x1f: {  	s23 =	smov.u32 @p3 s17  }
0x20: {  	s24 =	smov.u32 s15;
	s17 =	sadd.s32 $0x2, s15;
	p4 =	sgt.s32 s23, $0x8F  }
0x21: {  	p1 =	slt.u32 s16, $0x2;
	s24 =	smov.u32 @p4 s17  }
0x22: {  	s18 =	smov.u32 s12;
	s21 =	simm.s32 @p2 $0x0;
	p2 =	sgt.s32 s24, $0x1  }
0x23: {  	s25 =	simm.s32 @!p1 $0x2;
	s24 =	smov.u32 @p2 s2;
	p2 =	sne.s32 s16, s9  }
.Ltmp1:
0x24: {  	s20 =	smov.u32 s13;
	_ =	swait.ge @!p1 [sflag:s25], $0x4000;
	(pc) =	sbr.rel @!p2 .LBB1_8-.Ltmp1, $4  }
0x25: {  	s19 =	smov.u32 s15;
	p0 =	por !p0, !p0;
	[sflag:s25] =	ssyncset.done @!p1 $0x0  }
0x26: {  	s12 =	smov.u32 s21;
	s22 =	smov.u32 @p3 s5;
	[sflag:s25] =	ssyncadd.s32 @!p1 $0xFFFFC000  }
0x27: {  	s13 =	smov.u32 s22;
	s23 =	smov.u32 @p4 s8;
	s17 =	smov.u32 s14  }
0x28: {  	s14 =	smov.u32 s23;
	s16 =	sadd.s32 $0x1, s16;
	s15 =	smov.u32 s24  }
.LBB1_1:
0x29: {  	p1 =	sge.u32 s16, s7  }
.Ltmp2:
0x2a: {  	_ = 	snop;
	(pc) =	sbr.rel @p1 .LBB1_3-.Ltmp2, $1  }
0x2b: {  	_ =	sdelay $0x3  }
0x2c: {  	s21 =	sshrl.u32 s13, $0x3  }
0x2d: {  	s22 =	sshll.u32 s12, $0x3;
	s21 =	smul.u32 $0xC00, s21  }
0x2e: {  	s23 =	sshll.u32 s13, $0x7;
	s22 =	sand.u32 $0xFFFFFC00, s22  }
0x2f: {  	s25 =	sand.u32 $0x380, s23;
	s21 =	sadd.s32 s21, s22  }
0x30: {  	s26 =	sand.u32 $0x7F, s12;
	s21 =	sor.u32 s25, s21  }
0x31: {  	s24 =	sshra.s32 s15, $0x1F;
	s22 =	sor.u32 s26, s21  }
0x32: {  	p1 =	sgt.s32 s15, $0x1;
	s24 =	sand.u32 s24, s15;
	s23 =	smulhi.u32 $0xAAAAAAAB, s22  }
0x33: {  	s28 =	sshra.s32 s14, $0x1F;
	s31 =	sshra.s32 s12, $0x1F;
	s24 =	sxor.u32 $0xFFFFFFFF, s24  }
0x34: {  	s25 =	smov.u32 s15;
	s21 =	smulhi.u32 $0xAAAAAAAB, s21;
	s23 =	sshrl.u32 s23, $0x8  }
0x35: {  	s26 =	sxor.u32 $0xFFFFFFFF, s16;
	s25 =	simm.s32 @!p1 $0x1;
	s23 =	smul.u32 $0x180, s23  }
0x36: {  	s27 =	sadd.s32 s24, s25;
	s24 =	smov.u32 s14;
	s25 =	sand.u32 s28, s14  }
0x37: {  	p1 =	sgt.s32 s27, $0x0;
	s22 =	ssub.s32 s22, s23;
	s23 =	ssub.s32 $0x1, s27  }
0x38: {  	s21 =	sshrl.u32 s21, $0x8;
	s23 =	simm.s32 @p1 $0x0;
	p1 =	sgt.s32 s14, $0x10  }
0x39: {  	s29 =	smulhi.u32 $0x1C71C72, s21;
	s27 =	sshra.s32 s13, $0x1F;
	s24 =	simm.s32 @!p1 $0x10  }
0x3a: {  	p1 =	sgt.s32 s13, $0x8F;
	s24 =	ssub.s32 s24, s25;
	s25 =	smov.u32 s13  }
0x3b: {  	s27 =	sand.u32 s27, s13;
	s28 =	sadd.s32 $0xFFFFFFF0, s24;
	s25 =	simm.s32 @!p1 $0x8F  }
0x3c: {  	s24 =	ssub.s32 $0x90, s24;
	p1 =	sgt.s32 s28, $0x7F;
	s25 =	ssub.s32 s25, s27  }
0x3d: {  	s27 =	smul.u32 $0x90, s29;
	s24 =	simm.s32 @p1 $0x0;
	s30 =	sadd.s32 $0xFFFFFF71, s25  }
0x3e: {  	s23 =	smul.u32 s23, s24;
	p1 =	sgt.s32 s30, $0x0;
	s24 =	ssub.s32 $0x90, s25  }
0x3f: {  	s25 =	smov.u32 s12;
	s24 =	simm.s32 @p1 $0x0;
	p1 =	sgt.s32 s12, $0x100  }
0x40: {  	s28 =	sand.u32 s31, s12;
	s31 =	smul.u32 $0x1B00, s14;
	s25 =	simm.s32 @!p1 $0x100  }
0x41: {  	s21 =	ssub.s32 s21, s27;
	s30 =	smul.u32 $0xF3000, s15;
	s25 =	ssub.s32 s25, s28  }
0x42: {  	s26 =	sshll.u32 s26, $0xE;
	s21 =	smul.u32 $0x30, s21;
	s29 =	sadd.s32 $0xFFFFFF00, s25  }
0x43: {  	s23 =	smul.u32 s24, s23;
	s25 =	ssub.s32 $0x180, s25;
	p1 =	sgt.s32 s29, $0x7F  }
0x44: {  	s24 =	sand.u32 $0x4000, s26;
	s27 =	sadd.s32 s3, s30;
	s25 =	simm.s32 @p1 $0x0  }
0x45: {  	s28 =	sadd.s32 s31, s27;
	s29 =	sand.u32 $0x7, s22;
	s23 =	smul.u32 s25, s23  }
0x46: {  	s21 =	sadd.s32 s21, s28;
	s22 =	sshrl.u32 s22, $0x3;
	s30 =	sshll.u32 s29, $0x12  }
0x47: {  	s21 =	sadd.s32 s22, s21;
	s31 =	sor.u32 $0x80, s30;
	s23 =	sand.u32 $0x3FFFFFFF, s23  }
0x48: {  	[tilespmem:s24], [sflag:$0x1] =	stream.strided.gather [hbm4b:s21+s31], s23, s10, s31, $0x38;
	[tilespmem:$0x10100] =	vst v63  }
.LBB1_3:
0x49: {  	s21 =	sadd.s32 $0xFFFFFFFF, s16  }
0x4a: {  	p1 =	sge.u32 s21, s7  }
.Ltmp3:
0x4b: {  	_ = 	snop;
	(pc) =	sbr.rel @p1 .LBB1_7-.Ltmp3, $1  }
0x4c: {  	_ =	sdelay $0x3  }
0x4d: {  	p1 =	sgt.s32 s19, $0x1;
	s21 =	smov.u32 s19;
	s22 =	sshra.s32 s19, $0x1F  }
0x4e: {  	s23 =	smov.u32 s17;
	s24 =	sshra.s32 s17, $0x1F;
	s25 =	sshra.s32 s20, $0x1F  }
0x4f: {  	s21 =	simm.s32 @!p1 $0x1;
	s22 =	sand.u32 s22, s19;
	p1 =	sgt.s32 s17, $0x10  }
0x50: {  	s24 =	sand.u32 s24, s17;
	s22 =	sxor.u32 $0xFFFFFFFF, s22;
	s23 =	simm.s32 @!p1 $0x10  }
0x51: {  	s27 =	sshra.s32 s18, $0x1F;
	s21 =	sadd.s32 s22, s21;
	s24 =	ssub.s32 s23, s24  }
0x52: {  	p1 =	sgt.s32 s21, $0x0;
	s21 =	ssub.s32 $0x1, s21;
	s23 =	sadd.s32 $0xFFFFFFF0, s24  }
0x53: {  	s22 =	ssub.s32 $0x90, s24;
	s21 =	simm.s32 @p1 $0x0;
	p1 =	sgt.s32 s23, $0x7F  }
0x54: {  	s23 =	smov.u32 s20;
	s22 =	simm.s32 @p1 $0x0;
	p1 =	sgt.s32 s20, $0x8F  }
0x55: {  	s26 =	sand.u32 s25, s20;
	s21 =	smul.u32 s21, s22;
	s23 =	simm.s32 @!p1 $0x8F  }
0x56: {  	p1 =	sgt.s32 s18, $0x100;
	s22 =	ssub.s32 s23, s26;
	s23 =	smov.u32 s18  }
0x57: {  	s24 =	sand.u32 s27, s18;
	s25 =	sadd.s32 $0xFFFFFF71, s22;
	s23 =	simm.s32 @!p1 $0x100  }
0x58: {  	s22 =	ssub.s32 $0x90, s22;
	p1 =	sgt.s32 s25, $0x0;
	s23 =	ssub.s32 s23, s24  }
0x59: {  	s22 =	simm.s32 @p1 $0x0;
	s24 =	sadd.s32 $0xFFFFFF00, s23  }
0x5a: {  	s21 =	smul.u32 s22, s21;
	p1 =	sgt.s32 s24, $0x7F;
	s22 =	ssub.s32 $0x180, s23  }
0x5b: {  	s22 =	simm.s32 @p1 $0x0  }
0x5c: {  	s21 =	smul.u32 s22, s21;
	_ =	sdelay $0x1  }
0x5d: {  	s22 =	simm.s32 $0x1;
	s21 =	sand.u32 $0x3FFFFFFF, s21  }
0x5e: {  	s22 =	simm.s32 @!p0 $0x0;
	_ =	swait.ge [sflag:s6], s21  }
0x5f: {  	s28 =	sshll.u32 s22, $0xE;
	s21 =	ssub.s32 $0x0, s21;
	[sflag:s6] =	ssyncset.done $0x0  }
0x60: {  	s29 =	sor.u32 $0x40, s28;
	[sflag:s6] =	ssyncadd.s32 s21  }
0x61: {  	s30 =	smul.u32 $0x10200, s22;
	v0 =	vld [tilespmem:s29+$0x30]  }
0x62: {  	v1 =	vld [tilespmem:s29+$0xFFFFFFD0]  }
0x63: {  	s21 =	sshrl.u32 s30, $0x2;
	v5 =	vld [tilespmem:s29+$0xFFFFFFE0]  }
0x64: {  	s22 =	sor.u32 $0x8000, s21;
	v6 =	vld [tilespmem:s29+$0xFFFFFFF0]  }
0x65: {  	s31 =	sand.u32 $0x1, s16;
	v4 =	vld [tilespmem:s29+$0x0];
	s23 =	sadd.s32 $0x0, s22  }
0x66: {  	s21 =	smul.u32 $0x10200, s31;
	v2 =	vld [tilespmem:s29+$0x10];
	[tilespmem:s23+$0x3870 ss:$0x81] =	vst.msk $0xffff, v0  }
0x67: {  	v3 =	vld [tilespmem:s29+$0x20];
	[tilespmem:s23+$0x810 ss:$0x81] =	vst.msk $0xffff, v1  }
0x68: {  	s24 =	sadd.s32 $0x80, s29;
	s21 =	sshrl.u32 s21, $0x2;
	v0 =	vld [tilespmem:s29+$0xFFFFFFC0];
	[tilespmem:s23+$0x1020 ss:$0x81] =	vst.msk $0xffff, v5  }
0x69: {  	s26 =	simm.s32 $0x8;
	s25 =	simm.s32 $0x4;
	s21 =	sor.u32 $0x8000, s21;
	v1 =	vld [tilespmem:s24+$0x30];
	[tilespmem:s23+$0x1830 ss:$0x81] =	vst.msk $0xffff, v6  }
.LBB1_5:
0x6a: {  	p1 =	sne.s32 s26, $0x1FC;
	v5 =	vld [tilespmem:s24+$0xFFFFFFD0];
	[tilespmem:s23+$0x2040 ss:$0x81] =	vst.msk $0xffff, v4  }
0x6b: {  	v6 =	vld [tilespmem:s24+$0xFFFFFFE0];
	[tilespmem:s23+$0x2850 ss:$0x81] =	vst.msk $0xffff, v2  }
0x6c: {  	s27 =	sshra.s32 s25, $0x2;
	s25 =	smov.u32 s26;
	v7 =	vld [tilespmem:s24+$0xFFFFFFF0];
	[tilespmem:s23+$0x3060 ss:$0x81] =	vst.msk $0xffff, v3  }
.Ltmp4:
0x6d: {  	v4 =	vld [tilespmem:s24+$0x0];
	[tilespmem:s23+$0x0 ss:$0x81] =	vst.msk $0xffff, v0;
	s23 =	sadd.s32 s27, s22;
	(pc) =	sbr.rel @p1 .LBB1_5-.Ltmp4, $4  }
0x6e: {  	v2 =	vld [tilespmem:s24+$0x10];
	[tilespmem:s23+$0x3870 ss:$0x81] =	vst.msk $0xffff, v1  }
0x6f: {  	[tilespmem:s23+$0x810 ss:$0x81] =	vst.msk $0xffff, v5;
	v3 =	vld [tilespmem:s24+$0x20]  }
0x70: {  	v0 =	vld [tilespmem:s24+$0xFFFFFFC0];
	[tilespmem:s23+$0x1020 ss:$0x81] =	vst.msk $0xffff, v6;
	s24 =	sadd.s32 $0x80, s24  }
0x71: {  	s26 =	sadd.s32 $0x4, s26;
	v1 =	vld [tilespmem:s24+$0x30];
	[tilespmem:s23+$0x1830 ss:$0x81] =	vst.msk $0xffff, v7  }
.Ltmp5:
0x72: {  	_ = 	snop;
	(pc) =	sbr.rel .LBB1_6-.Ltmp5, $1  }
0x73: {  	_ =	sdelay $0x3  }
.LBB1_8:
0x74: {  	_ =	sfence.sel $0x180000  }
0x75: {  	s2 =	simm.s32 $0x1;
	[bflag:$0x0] =	sbarrier.arrive $0xFFFF  }
0x76: {  	s31 =	simm.s32 $0x2;
	[sflag:s2] =	ssyncpa.u1 $0x1  }
0x77: {  	[sflag:s31] =	ssyncpa.u1 $0x1  }
0x78: {  	p0 =	sne.s32 s1, $0x0;
	_ =	strace $0x9000004A  }
0x79: {  	s0 =	sadd.s32 @!p0 $0x100000, s0;
	[bflag:$0x2] =	sbarrier.arrive $0xFFFF  }
0x7a: {  	[sflag:s0] =	ssyncadd.tile.s32 @!p0 $0x1;
	_ =	shalt  }
.Lfunc_end1:
_tile_overlayer_lowered:
.L_overlay_start_2:
0x7b: {  	(tag) =	ssettag $0x2  }
0x7c: {  	s0 =	rddreg [dreg:$0x0];
	s2 =	stileid.u32  }
0x7d: {  	s1 =	rddreg [dreg:$0x1];
	p0 =	sne.s32 s2, $0x0  }
0x7e: {  	s3 =	rddreg [dreg:$0x2];
	[bflag:$0x3] =	sbarrier.arrive $0xFFFF;
	s2 =	simm.s32 @!p0 $0x1C01  }
0x7f: {  	[timem:s3], [sflag:s2] =	dma.local @!p0 [hbm:s0], s1  }
0x80: {  	s0 =	simm.s32 @!p0 $0x1  }
0x81: {  	_ =	swait.ge @!p0 [sflag:s0], s1  }
0x82: {  	s1 =	ssub.s32 @!p0 $0x0, s1;
	[sflag:s0] =	ssyncset.done @!p0 $0x0  }
0x83: {  	[sflag:s0] =	ssyncadd.s32 @!p0 s1  }
0x84: {  	[bflag:$0x3] =	sbarrier.arrive $0xFFFF  }
0x85: {  	_ =	shalt  }

</sc_bundles>
